<compile_context>
chip_gen: v7x
topology: tpu7x:2x2x1
jax: 0.10.2.dev20260603
libtpu: 0.0.44.dev20260713+nightly
codegen_flags: <defaults>
</compile_context>

<pallas_src>
import jax
import jax.numpy as jnp
from jax import lax
from jax.experimental import pallas as pl
from jax.experimental.pallas import tpu as pltpu
from jax.experimental.pallas import tpu_sc as plsc

_NUM_SUBCORES = 16
_LANES = 16

_B = 16384
_IDX_PER_W = _B // _NUM_SUBCORES
_ITERS = _IDX_PER_W // 8


def _sc_lookup_body(idx_hbm, tab_hbm, out_hbm, idx_v, tab_v, out_v, sem_t, sem_i):
    wid = lax.axis_index("s")
    base = wid * _IDX_PER_W

    ctab = pltpu.async_copy(tab_hbm, tab_v, sem_t)
    cidx = pltpu.async_copy(idx_hbm.at[pl.ds(wid, 1)], idx_v, sem_i)
    ctab.wait()
    cidx.wait()

    lane = lax.iota(jnp.int32, _LANES)
    half = lax.shift_right_logical(lane, 1)
    parity = lax.bitwise_and(lane, 1)
    zero = lane - lane

    @plsc.parallel_loop(0, _ITERS, unroll=8)
    def _(i):
        pos = half + (i * 8)
        idx16 = plsc.load_gather(idx_v, [zero, pos])
        val = plsc.load_gather(tab_v, [idx16, parity])
        plsc.store_scatter(out_v, [pos, parity], val)

    pltpu.sync_copy(out_v, out_hbm.at[pl.ds(base, _IDX_PER_W)])


@jax.jit
def _sc_lookup(idx, tab):
    mesh = plsc.VectorSubcoreMesh(
        core_axis_name="c", subcore_axis_name="s",
        num_cores=1, num_subcores=_NUM_SUBCORES,
    )
    return pl.kernel(
        _sc_lookup_body,
        out_type=jax.ShapeDtypeStruct((_B, 2), jnp.float32),
        mesh=mesh,
        compiler_params=pltpu.CompilerParams(
            needs_layout_passes=False, use_tc_tiling_on_sc=False),
        scratch_types=[
            pltpu.VMEM((1, _IDX_PER_W), jnp.int32),
            pltpu.VMEM((10, 2), jnp.float32),
            pltpu.VMEM((_IDX_PER_W, 2), jnp.float32),
            pltpu.SemaphoreType.DMA,
            pltpu.SemaphoreType.DMA,
        ],
    )(idx, tab)


def kernel(inputs, weight):
    idx2d = inputs.astype(jnp.int32).reshape(_NUM_SUBCORES, _IDX_PER_W)
    return _sc_lookup(idx2d, weight)

# --- scband reference (transcript-rebuilt; emitter-appended) ---
"""Pipeline reference for scband-my-model-87522843559507 (READ-ONLY COPY).

The authoritative reference and input builder live on the scoring server;
editing this copy changes nothing except your own understanding.
"""

import jax, jax.numpy as jnp
import numpy as np


def setup_inputs(seed: int = 0) -> dict:
    key = jax.random.key(seed)
    k1, k2 = jax.random.split(key)
    inputs = jax.random.randint(k1, (16384, 1), 0, 10, dtype=jnp.int64)
    weight = jax.random.normal(k2, (10, 2), dtype=jnp.float32) * 0.05
    return {"inputs": inputs, "weight": weight}


def reference(inputs, weight):
    indices = inputs.astype(jnp.int32)
    idx = jnp.squeeze(indices, axis=-1)
    output = jnp.take(weight, idx, axis=0)
    return output

if __name__ == "__main__":
    import jax
    _d = setup_inputs()
    print(jax.jit(kernel)(*tuple(_d.values())))

</pallas_src>

<mosaic_0001>
#map = affine_map<(d0, d1) -> (0, 0)>
module attributes {stable_mosaic.version = 14 : i64} {
  func.func @_sc_lookup_body(%arg0: i32, %arg1: i32, %arg2: memref<16x1024xi32, #tpu.memory_space<hbm>>, %arg3: memref<10x2xf32, #tpu.memory_space<hbm>>, %arg4: memref<16384x2xf32, #tpu.memory_space<hbm>>, %arg5: memref<1x1024xi32, #tpu.memory_space<vmem>>, %arg6: memref<10x2xf32, #tpu.memory_space<vmem>>, %arg7: memref<1024x2xf32, #tpu.memory_space<vmem>>, %arg8: memref<!tpu.dma_semaphore, #tpu.memory_space<semaphore_mem>>, %arg9: memref<!tpu.dma_semaphore, #tpu.memory_space<semaphore_mem>>) attributes {dimension_semantics = [#tpu.dimension_semantics<core_parallel>, #tpu.dimension_semantics<subcore_parallel>], iteration_bounds = array<i64: 1, 16>, scalar_prefetch = 0 : i64, scratch_operands = 5 : i64, tpu.core_type = #tpu.core_type<sc_vector_subcore>, window_params = [{transform_indices = #map}, {transform_indices = #map}, {transform_indices = #map}]} {
    %mul3A = arith.constant 1024 : i32
    %mul3A_0 = arith.muli %arg1, %mul3A : i32
    tpu.enqueue_dma source(%arg3 : memref<10x2xf32, #tpu.memory_space<hbm>>) target(%arg6 : memref<10x2xf32, #tpu.memory_space<vmem>>) target_semaphore(%arg8 : memref<!tpu.dma_semaphore, #tpu.memory_space<semaphore_mem>>)
    %dma_start3A = arith.constant 0 : i32
    %dma_start3A_1 = tpu.memref_slice %arg2[%arg1, %dma_start3A] : memref<16x1024xi32, #tpu.memory_space<hbm>> -> memref<1x1024xi32, #tpu.memory_space<hbm>>
    %dma_start3A_2 = arith.constant 0 : i32
    %dma_start3A_3 = tpu.memref_slice %arg2[%arg1, %dma_start3A_2] : memref<16x1024xi32, #tpu.memory_space<hbm>> -> memref<1x1024xi32, #tpu.memory_space<hbm>>
    tpu.enqueue_dma source(%dma_start3A_3 : memref<1x1024xi32, #tpu.memory_space<hbm>>) target(%arg5 : memref<1x1024xi32, #tpu.memory_space<vmem>>) target_semaphore(%arg9 : memref<!tpu.dma_semaphore, #tpu.memory_space<semaphore_mem>>)
    tpu.wait_dma2 semaphore(%arg8 : memref<!tpu.dma_semaphore, #tpu.memory_space<semaphore_mem>>) src(%arg3 : memref<10x2xf32, #tpu.memory_space<hbm>>) dst(%arg6 : memref<10x2xf32, #tpu.memory_space<vmem>>)
    %dma_wait3A = arith.constant 0 : i32
    %dma_wait3A_4 = tpu.memref_slice %arg2[%arg1, %dma_wait3A] : memref<16x1024xi32, #tpu.memory_space<hbm>> -> memref<1x1024xi32, #tpu.memory_space<hbm>>
    %dma_wait3A_5 = arith.constant 0 : i32
    %dma_wait3A_6 = tpu.memref_slice %arg2[%arg1, %dma_wait3A_5] : memref<16x1024xi32, #tpu.memory_space<hbm>> -> memref<1x1024xi32, #tpu.memory_space<hbm>>
    tpu.wait_dma2 semaphore(%arg9 : memref<!tpu.dma_semaphore, #tpu.memory_space<semaphore_mem>>) src(%dma_wait3A_6 : memref<1x1024xi32, #tpu.memory_space<hbm>>) dst(%arg5 : memref<1x1024xi32, #tpu.memory_space<vmem>>)
    %iota3A = tpu.iota {dimensions = array<i32: 0>} : vector<16xi32>
    %shift_right_logical3A = arith.constant 1 : i32
    %shift_right_logical3A_7 = vector.broadcast %shift_right_logical3A : i32 to vector<16xi32>
    %shift_right_logical3A_8 = arith.shrui %iota3A, %shift_right_logical3A_7 : vector<16xi32>
    %and3A = arith.constant 1 : i32
    %and3A_9 = vector.broadcast %and3A : i32 to vector<16xi32>
    %and3A_10 = arith.andi %iota3A, %and3A_9 : vector<16xi32>
    %sub3A = arith.subi %iota3A, %iota3A : vector<16xi32>
    %parallel_loop3A = arith.constant 0 : i32
    %parallel_loop3A_11 = arith.constant 128 : i32
    %parallel_loop3A_12 = arith.constant 1 : i32
    scf.for %parallel_loop3A_13 = %parallel_loop3A to %parallel_loop3A_11 step %parallel_loop3A_12  : i32 {
      %parallel_loop3A_14 = arith.constant 8 : i32
      %parallel_loop3A_15 = arith.muli %parallel_loop3A_13, %parallel_loop3A_14 : i32
      %parallel_loop3A_16 = vector.broadcast %parallel_loop3A_15 : i32 to vector<16xi32>
      %parallel_loop3A_17 = arith.addi %shift_right_logical3A_8, %parallel_loop3A_16 : vector<16xi32>
      %parallel_loop3A_18 = tpu.vector_load_idx %arg5[%sub3A, %parallel_loop3A_17] : memref<1x1024xi32, #tpu.memory_space<vmem>>[vector<16xi32>, vector<16xi32>], vector<16xi32>,
      %parallel_loop3A_19 = tpu.vector_load_idx %arg6[%parallel_loop3A_18, %and3A_10] : memref<10x2xf32, #tpu.memory_space<vmem>>[vector<16xi32>, vector<16xi32>], vector<16xf32>,
      tpu.vector_store_idx %arg7[%parallel_loop3A_17, %and3A_10], %parallel_loop3A_19 : memref<1024x2xf32, #tpu.memory_space<vmem>>[vector<16xi32>, vector<16xi32>], vector<16xf32>,
    } {sc.loop_unroll_factor = 8 : i64, sc.parallel_access}
    "tpu.region"() ({
      %run_scoped3A = tpu.sem_alloc : memref<!tpu.dma_semaphore, #tpu.memory_space<semaphore_mem>>
      %dma_start3A_13 = arith.constant 0 : i32
      %dma_start3A_14 = tpu.memref_slice %arg4[%mul3A_0, %dma_start3A_13] : memref<16384x2xf32, #tpu.memory_space<hbm>> -> memref<1024x2xf32, #tpu.memory_space<hbm>>
      %dma_start3A_15 = arith.constant 0 : i32
      %dma_start3A_16 = tpu.memref_slice %arg4[%mul3A_0, %dma_start3A_15] : memref<16384x2xf32, #tpu.memory_space<hbm>> -> memref<1024x2xf32, #tpu.memory_space<hbm>>
      tpu.enqueue_dma source(%arg7 : memref<1024x2xf32, #tpu.memory_space<vmem>>) target(%dma_start3A_16 : memref<1024x2xf32, #tpu.memory_space<hbm>>) target_semaphore(%run_scoped3A : memref<!tpu.dma_semaphore, #tpu.memory_space<semaphore_mem>>)
      %dma_wait3A_17 = arith.constant 0 : i32
      %dma_wait3A_18 = tpu.memref_slice %arg4[%mul3A_0, %dma_wait3A_17] : memref<16384x2xf32, #tpu.memory_space<hbm>> -> memref<1024x2xf32, #tpu.memory_space<hbm>>
      %dma_wait3A_19 = arith.constant 0 : i32
      %dma_wait3A_20 = tpu.memref_slice %arg4[%mul3A_0, %dma_wait3A_19] : memref<16384x2xf32, #tpu.memory_space<hbm>> -> memref<1024x2xf32, #tpu.memory_space<hbm>>
      tpu.wait_dma2 semaphore(%run_scoped3A : memref<!tpu.dma_semaphore, #tpu.memory_space<semaphore_mem>>) src(%arg7 : memref<1024x2xf32, #tpu.memory_space<vmem>>) dst(%dma_wait3A_20 : memref<1024x2xf32, #tpu.memory_space<hbm>>)
      tpu.yield
    }) : () -> ()
    return
  }
}

</mosaic_0001>

<sc_bundles>
// kernel: _sc_lookup.3.cloned.1.call-start
scs
__scs_entry_jumppad:
0x0: {  	(pc) =	sbr.rel $0x88, $3  }
0x1: {  	(tag) =	ssettag $0x0;
	lr =	simm.s32 $0x1  }
0x2: {  	[smem:$0x3F9F] =	sst lr;
	_ =	strace $0xD0000000  }
0x3: {  	_ = 	snop  }
0x4: {  	_ = 	snop  }
0x5: {  	_ = 	snop  }
0x6: {  	_ = 	snop  }
0x7: {  	_ = 	snop  }
__scs_overlays_trampoline_lowered:
0x8: {  	[smem:$0x3FAE] =	sst s0  }
0x9: {  	[smem:$0x3FAF] =	sst s1  }
0xa: {  	[smem:$0x3FB0] =	sst s2  }
0xb: {  	[smem:$0x3FB1] =	sst s3  }
0xc: {  	[smem:$0x3FB2] =	sst s4  }
0xd: {  	[smem:$0x3FB3] =	sst s5  }
0xe: {  	[smem:$0x3FB4] =	sst s6  }
0xf: {  	[smem:$0x3FB5] =	sst s7  }
0x10: {  	[smem:$0x3FB6] =	sst s8  }
0x11: {  	[smem:$0x3FB7] =	sst s9;
	s0 =	simm.s32 @!p0 $0x0  }
0x12: {  	s1 =	sld [smem:$0x3F9D];
	s0 =	simm.s32 @p0 $0x1  }
0x13: {  	[smem:$0x3FB8] =	sst s0;
	s0 =	simm.s32 @!p1 $0x0  }
0x14: {  	s2 =	sld [smem:$0x3F9C];
	s0 =	simm.s32 @p1 $0x1  }
0x15: {  	[smem:$0x3FB9] =	sst s0;
	s0 =	simm.s32 @!p2 $0x0  }
0x16: {  	s3 =	sld [smem:$0x3FDB];
	s0 =	simm.s32 @p2 $0x1  }
0x17: {  	s4 =	simm.s32 $0x1BF5;
	[smem:$0x3FBB] =	sst s0  }
0x18: {  	s0 =	sld [smem:$0x3F9E];
	_ =	swait.ge [sflag:s4], $0x0  }
0x19: {  	s7 =	sld [smem:$0x3F9F]  }
0x1a: {  	s8 =	sadd.s32 $0xFFFFE003, lr  }
0x1b: {  	s9 =	sadd.s32 $0xFFFFFEF7, lr;
	s5 =	simm.s32 $0xFFFFFFFF;
	p2 =	slt.u32 s8, $0xFFFFF086  }
0x1c: {  	p1 =	slt.u32 s9, $0xF7A;
	s5 =	simm.s32 @!p2 $0x0  }
0x1d: {  	s5 =	simm.s32 @p1 $0x1;
	p0 =	seq.s32 s7, s2  }
0x1e: {  	s7 =	smul.u32 @!p0 $0xF7A, s2;
	p2 =	seq.s32 @!p0 s5, $0x0  }
0x1f: {  	s9 =	smul.u32 $0xF7A, s1;
	s8 =	simm.s32 @!p0 $0x1BF5;
	p2 =	por !p2, p0  }
0x20: {  	[sflag:s8] =	ssyncset.s32 @!p0 $0xFFFFF086;
	s6 =	sadd.s32 @!p0 s3, s7;
	s7 =	simm.s32 @!p0 $0x108  }
0x21: {  	s3 =	sadd.s32 s3, s9;
	s6 =	sadd.s32 @!p0 $0x88, s6;
	s7 =	simm.s32 @p2 $0x1082  }
0x22: {  	[simem:s7], [sflag:s8] =	dma.local @!p0 [hbm:s6], $0xF7A  }
0x23: {  	s9 =	sor.u32 $0xD0000000, s2;
	s6 =	simm.s32 $0x108;
	_ =	swait.ge @!p0 [sflag:s8], $0x0  }
0x24: {  	s3 =	sadd.s32 $0x88, s3;
	s6 =	simm.s32 @!p1 $0x1082;
	[sflag:s4] =	ssyncset.s32 $0xFFFFF086  }
0x25: {  	[simem:s6], [sflag:s4] =	dma.local [hbm:s3], $0xF7A  }
0x26: {  	[smem:$0x3F9F] =	sst s1;
	(tag) =	ssettag s2;
	_ =	strace s9  }
0x27: {  	s1 =	sld [smem:$0x3FAF]  }
0x28: {  	s2 =	sld [smem:$0x3FB0]  }
0x29: {  	s4 =	sld [smem:$0x3FB2]  }
0x2a: {  	p0 =	seq.s32 s5, $0x0;
	s5 =	sld [smem:$0x3FB3]  }
0x2b: {  	s6 =	sld [smem:$0x3FB4]  }
0x2c: {  	s7 =	sld [smem:$0x3FB5]  }
0x2d: {  	s3 =	simm.s32 $0x108;
	s8 =	sld [smem:$0x3FB6]  }
0x2e: {  	s3 =	simm.s32 @!p0 $0x1082;
	s9 =	sld [smem:$0x3FB7]  }
0x2f: {  	lr =	sadd.s32 s0, s3;
	s0 =	sld [smem:$0x3FAE]  }
0x30: {  	s3 =	sld [smem:$0x3FB1]  }
0x31: {  	[smem:$0x3FBA] =	sst s10  }
0x32: {  	s10 =	sld [smem:$0x3FB8];
	_ =	sdelay $0x3  }
0x33: {  	p0 =	seq.s32 s10, $0x1;
	s10 =	sld [smem:$0x3FBA];
	_ =	sdelay $0x3  }
0x34: {  	[smem:$0x3FBA] =	sst s10  }
0x35: {  	s10 =	sld [smem:$0x3FB9];
	_ =	sdelay $0x3  }
0x36: {  	p1 =	seq.s32 s10, $0x1;
	s10 =	sld [smem:$0x3FBA];
	_ =	sdelay $0x3  }
0x37: {  	[smem:$0x3FBA] =	sst s10  }
0x38: {  	s10 =	sld [smem:$0x3FBB]  }
0x39: {  	_ = 	snop;
	(pc) =	sbr.ind lr, $3  }
0x3a: {  	_ = 	snop  }
0x3b: {  	_ = 	snop  }
0x3c: {  	p2 =	seq.s32 s10, $0x1;
	s10 =	sld [smem:$0x3FBA]  }
0x3d: {  	_ =	shalt  }
0x3e: {  	_ =	shalt  }
0x3f: {  	_ =	shalt  }
0x40: {  	_ =	shalt  }
0x41: {  	_ =	shalt  }
0x42: {  	_ =	shalt  }
0x43: {  	_ =	shalt  }
0x44: {  	_ =	shalt  }
0x45: {  	_ =	shalt  }
0x46: {  	_ =	shalt  }
0x47: {  	_ =	shalt  }
0x48: {  	_ =	shalt  }
0x49: {  	_ =	shalt  }
0x4a: {  	_ =	shalt  }
0x4b: {  	_ =	shalt  }
0x4c: {  	_ =	shalt  }
0x4d: {  	_ =	shalt  }
0x4e: {  	_ =	shalt  }
0x4f: {  	_ =	shalt  }
0x50: {  	_ =	shalt  }
0x51: {  	_ =	shalt  }
0x52: {  	_ =	shalt  }
0x53: {  	_ =	shalt  }
0x54: {  	_ =	shalt  }
0x55: {  	_ =	shalt  }
0x56: {  	_ =	shalt  }
0x57: {  	_ =	shalt  }
0x58: {  	_ =	shalt  }
0x59: {  	_ =	shalt  }
0x5a: {  	_ =	shalt  }
0x5b: {  	_ =	shalt  }
0x5c: {  	_ =	shalt  }
0x5d: {  	_ =	shalt  }
0x5e: {  	_ =	shalt  }
0x5f: {  	_ =	shalt  }
0x60: {  	_ =	shalt  }
0x61: {  	_ =	shalt  }
0x62: {  	_ =	shalt  }
0x63: {  	_ =	shalt  }
0x64: {  	_ =	shalt  }
0x65: {  	_ =	shalt  }
0x66: {  	_ =	shalt  }
0x67: {  	_ =	shalt  }
0x68: {  	_ =	shalt  }
0x69: {  	_ =	shalt  }
0x6a: {  	_ =	shalt  }
0x6b: {  	_ =	shalt  }
0x6c: {  	_ =	shalt  }
0x6d: {  	_ =	shalt  }
0x6e: {  	_ =	shalt  }
0x6f: {  	_ =	shalt  }
0x70: {  	_ =	shalt  }
0x71: {  	_ =	shalt  }
0x72: {  	_ =	shalt  }
0x73: {  	_ =	shalt  }
0x74: {  	_ =	shalt  }
0x75: {  	_ =	shalt  }
0x76: {  	_ =	shalt  }
0x77: {  	_ =	shalt  }
0x78: {  	_ =	shalt  }
0x79: {  	_ =	shalt  }
0x7a: {  	_ =	shalt  }
0x7b: {  	_ =	shalt  }
0x7c: {  	_ =	shalt  }
0x7d: {  	_ =	shalt  }
0x7e: {  	_ =	shalt  }
0x7f: {  	_ =	shalt  }
0x80: {  	_ =	shalt  }
0x81: {  	_ =	shalt  }
0x82: {  	_ =	shalt  }
0x83: {  	_ =	shalt  }
0x84: {  	_ =	shalt  }
0x85: {  	_ =	shalt  }
0x86: {  	_ =	shalt  }
0x87: {  	_ =	shalt  }
.Lfunc_end0:
.L_simem_size_0:
called_computation_lowered:
.L_overlay_start_0:
0x88: {  	s0 =	sld [smem:$0x3FD9]  }
0x89: {  	s1 =	sld [smem:$0x3FFE];
	_ =	sdelay $0x3  }
0x8a: {  	s0 =	sadd.s32 s1, s0  }
0x8b: {  	[smem:$0x3FC6] =	sst s0  }
0x8c: {  	_ = 	snop  }
0x8d: {  	s0 =	sld [smem:$0x3FD0];
	(tm) =	ssettm $0x1  }
0x8e: {  	s16 =	sld [smem:$0x3FFB];
	_ =	sdelay $0x3  }
0x8f: {  	_ =	strace s16  }
0x90: {  	s1 =	sld [smem:$0x3FFC];
	_ =	sdelay $0x3  }
0x91: {  	_ =	strace s1  }
0x92: {  	s1 =	sld [smem:$0x3FFD];
	_ =	sdelay $0x3  }
0x93: {  	_ =	strace s1  }
0x94: {  	_ =	strace $0x8FFFFFFF  }
0x95: {  	s17 =	sld [smem:$0x3FDB];
	_ =	sdelay $0x1  }
0x96: {  	s2 =	simm.s32 $_scs_section_size  }
0x97: {  	s3 =	simm.s32 $_size__tile_overlayer_lowered;
	s4 =	simm.s32 $_tile_overlayer_lowered  }
0x98: {  	s20 =	simm.s32 $0x1BFF;
	s19 =	sshll.u32 s4, $0x1;
	s1 =	sadd.s32 s2, s17  }
0x99: {  	s5 =	simm.s32 $0x0;
	s18 =	sshll.u32 s3, $0x1;
	s3 =	sadd.s32 s19, s1  }
0x9a: {  	[timem:s5], [sflag:s20] =	dma.local [hbm:s3], s18  }
0x9b: {  	_ =	swait.ge [sflag:s20], s18  }
0x9c: {  	s2 =	ssub.s32 $0x0, s18;
	[sflag:s20] =	ssyncset.done $0x0  }
0x9d: {  	[sflag:s20] =	ssyncadd.s32 s2;
	_ =	sdelay $0x1  }
0x9e: {  	s21 =	simm.s32 $0x1B8B  }
0x9f: {  	_ =	swait.ge [sflag:s21], $0x1  }
0xa0: {  	[sflag:s21] =	ssyncset.done $0x0  }
0xa1: {  	s23 =	simm.s32 $0x1B8E;
	s22 =	sld [smem:$0x3FFE];
	[sflag:s21] =	ssyncadd.s32 $0xFFFFFFFF  }
0xa2: {  	s24 =	simm.s32 $execute0_lowered;
	[smem:$0x3FD2] =	sst s23  }
0xa3: {  	s3 =	sshll.u32 s24, $0x1;
	_ =	strace $0x80000046;
	[dreg:$0x1] =	wrdreg $0xFFFFFFFF  }
0xa4: {  	s25 =	simm.s32 $_size_execute0_lowered;
	s1 =	sadd.s32 s1, s3;
	[dreg:$0x0] =	wrdreg $0x0  }
0xa5: {  	s3 =	sshll.u32 s25, $0x1;
	[dreg:$0x2] =	wrdreg s1  }
0xa6: {  	[dreg:$0x3] =	wrdreg s3  }
0xa7: {  	[dreg:$0x4] =	wrdreg $0xC0  }
0xa8: {  	_ =	task [dreg:s5], $0x5FFFF  }
0xa9: {  	[dreg:$0x1] =	wrdreg $0xFFFFFFFF  }
0xaa: {  	[dreg:$0x0] =	wrdreg $0x60  }
0xab: {  	[dreg:$0x2] =	wrdreg s0  }
0xac: {  	[dreg:$0x3] =	wrdreg s22  }
0xad: {  	[dreg:$0x4] =	wrdreg $0x9  }
0xae: {  	_ =	task.clear_ibuf [dreg:s5], $0x5FFFF;
	_ =	strace $0x90000046  }
0xaf: {  	s26 =	simm.s32 $0x9;
	_ =	strace $0x80000048  }
0xb0: {  	_ =	swait.ge [sflag:s26], $0x1  }
0xb1: {  	[sflag:s26] =	ssyncadd.s32 $0xFFFFFFFF  }
0xb2: {  	_ =	strace $0x90000048  }
0xb3: {  	_ =	sfence  }
0xb4: {  	s28 =	sld [smem:$0x0];
	_ =	sdelay $0x1  }
0xb5: {  	s29 =	srdreg.scid  }
0xb6: {  	s30 =	sshll.u32 s29, $0xD;
	s31 =	sshrl.u32 s29, $0x2  }
0xb7: {  	s2 =	sand.u32 $0x4000, s30;
	s1 =	sand.u32 $0x1, s29;
	s0 =	sadd.s32 s31, s28  }
0xb8: {  	s1 =	sor.u32 s2, s1;
	s0 =	sshll.u32 s0, $0x11  }
0xb9: {  	s0 =	sor.u32 s0, s1  }
0xba: {  	s0 =	sadd.s32 $0x8F2B, s0  }
0xbb: {  	[sflag:s0] =	ssyncadd.remote.s32 $0x1  }
0xbc: {  	_ =	sfence.sel $0xFFFF  }
0xbd: {  	[dreg:$0x0] =	wrdreg $0xFFFFFFFF;
	(pc) =	sbr.abs _section_cstart, $3  }
0xbe: {  	[dreg:$0x1] =	wrdreg $0xFFFFFFFF  }
0xbf: {  	_ =	task.clear_ibuf [dreg:s5], $0x2FFFF;
	_ =	strace $0x9FFFFFFF  }
0xc0: {  	(tm) =	ssettm $0x7FFFFFFF  }
0xc1: {  	_ =	shalt  }
tec
execute0_lowered:
.L_overlay_start_1:
0x0: {  	(tag) =	ssettag $0x1  }
0x1: {  	s4 =	rddreg [dreg:$0x0]  }
0x2: {  	s5 =	rddreg [dreg:$0x1]  }
0x3: {  	s0 =	rddreg [dreg:$0x2];
	s3 =	simm.s32 $0x0  }
0x4: {  	s1 =	stileid.u32;
	s2 =	simm.s32 $0x400;
	[smem:$0x7FF] =	sst s3  }
0x5: {  	s6 =	sadd.s32 $0x400, s5;
	s7 =	sshll.u32 s1, $0x7;
	_ =	strace $0x80000047  }
0x6: {  	[tilespmem:s2], [sflag:$0x1] =	stream.linear.gather [hbm4b:s6+s3], $0x50, $0x38;
	[tilespmem:$0x2450] =	vst v63  }
0x7: {  	s13 =	simm.s32 $0x1;
	s4 =	sadd.s32 s4, s7  }
0x8: {  	v1 =	vlaneseq.u32;
	[tilespmem:s3], [sflag:$0x2] =	stream.linear.gather [hbm4b:s4+s3], $0x400, $0x38;
	[tilespmem:$0x2450] =	vst v63  }
0x9: {  	s14 =	simm.s32 $0x38;
	v0 =	vshrl.u32 v1, $0x1;
	_ =	swait.ge [sflag:s13], $0x50  }
0xa: {  	s15 =	simm.s32 $0x30;
	v2 =	vor.u32 s14, v0;
	[sflag:s13] =	ssyncset.done $0x0  }
0xb: {  	s16 =	simm.s32 $0x2;
	s17 =	simm.s32 $0x8;
	v7 =	vor.u32 s15, v0;
	[sflag:s13] =	ssyncadd.s32 $0xFFFFFFB0  }
0xc: {  	s18 =	simm.s32 $0x0;
	v3 =	vor.u32 s17, v0;
	_ =	swait.ge [sflag:s16], $0x400  }
0xd: {  	v4 =	vor.u32 s18, v0;
	[sflag:s16] =	ssyncset.done $0x0  }
0xe: {  	[sflag:s16] =	ssyncadd.s32 $0xFFFFFC00  }
0xf: {  	s19 =	simm.s32 $0x10;
	v5 =	vld.idx.msk [tilespmem:v2+s3+$0x0], $0xffff  }
0x10: {  	s20 =	simm.s32 $0x18;
	s21 =	simm.s32 $0x20;
	s22 =	simm.s32 $0x28;
	v1 =	vand.u32 $0x1, v1;
	v6 =	vor.u32 s19, v0;
	v8 =	vld.idx.msk [tilespmem:v7+s3+$0x0], $0xffff  }
0x11: {  	s30 =	simm.s32 $0x60;
	s31 =	simm.s32 $0x68;
	v9 =	vor.u32 s20, v0;
	v11 =	vor.u32 s21, v0;
	v12 =	vor.u32 s22, v0;
	v10 =	vld.idx.msk [tilespmem:v3+s3+$0x0], $0xffff  }
0x12: {  	v25 =	vor.u32 s30, v0;
	v27 =	vor.u32 s31, v0;
	v13 =	vld.idx.msk [tilespmem:v4+s3+$0x0], $0xffff;
	v3 =	vshll.u32 v3, $0x3  }
0x13: {  	s23 =	simm.s32 $0x78;
	v14 =	vshll.u32 v6, $0x3;
	v15 =	vshll.u32 v9, $0x3;
	v21 =	vor.u32 v1, v3  }
0x14: {  	v3 =	vor.u32 v1, v15;
	v15 =	vor.u32 s23, v0;
	v5 =	vshll.u32 v5, $0x3  }
0x15: {  	v16 =	vshll.u32 v11, $0x3;
	v18 =	vld.idx.msk [tilespmem:v6+s3+$0x0], $0xffff;
	v6 =	vshll.u32 v8, $0x3;
	v8 =	vor.u32 v1, v5  }
0x16: {  	v19 =	vshll.u32 v2, $0x3;
	v9 =	vld.idx.msk [tilespmem:v9+s3+$0x0], $0xffff;
	v2 =	vshll.u32 v10, $0x3;
	v10 =	vor.u32 v1, v6  }
0x17: {  	s26 =	simm.s32 $0x40;
	v17 =	vshll.u32 v12, $0x3;
	v11 =	vld.idx.msk [tilespmem:v11+s3+$0x0], $0xffff;
	v5 =	vshll.u32 v13, $0x3;
	v13 =	vor.u32 v1, v2  }
0x18: {  	v4 =	vshll.u32 v4, $0x3;
	v12 =	vld.idx.msk [tilespmem:v12+s3+$0x0], $0xffff;
	v6 =	vor.u32 v1, v17;
	v17 =	vor.u32 s26, v0  }
0x19: {  	s24 =	simm.s32 $0x70;
	v20 =	vor.u32 v1, v4;
	v4 =	vor.u32 v1, v14;
	v28 =	vld.idx.msk [tilespmem:v15+s3+$0x0], $0xffff;
	v14 =	vor.u32 v1, v5  }
0x1a: {  	s25 =	simm.s32 $0x48;
	v19 =	vor.u32 v1, v19;
	v7 =	vshll.u32 v7, $0x3;
	v5 =	vor.u32 s24, v0;
	v22 =	vld.idx.msk [tilespmem:v8+s2+$0x0], $0xffff  }
0x1b: {  	s29 =	simm.s32 $0x58;
	v26 =	vor.u32 v1, v7;
	v9 =	vshll.u32 v9, $0x3;
	v8 =	vor.u32 s25, v0;
	v10 =	vld.idx.msk [tilespmem:v10+s2+$0x0], $0xffff  }
0x1c: {  	s28 =	simm.s32 $0x50;
	v2 =	vor.u32 v1, v16;
	v16 =	vshll.u32 v18, $0x3;
	v18 =	vor.u32 s29, v0;
	v23 =	vld.idx.msk [tilespmem:v13+s2+$0x0], $0xffff  }
0x1d: {  	v11 =	vshll.u32 v11, $0x3;
	v7 =	vshll.u32 v12, $0x3;
	v13 =	vor.u32 s28, v0;
	v34 =	vld.idx.msk [tilespmem:v17+s3+$0x0], $0xffff  }
0x1e: {  	v29 =	vor.u32 v1, v9;
	v31 =	vor.u32 v1, v11;
	v15 =	vshll.u32 v15, $0x3;
	v24 =	vld.idx.msk [tilespmem:v14+s2+$0x0], $0xffff  }
0x1f: {  	v16 =	vor.u32 v1, v16;
	v9 =	vshll.u32 v17, $0x3;
	v12 =	vshll.u32 v18, $0x3;
	v30 =	vld.idx.msk [tilespmem:v5+s3+$0x0], $0xffff  }
0x20: {  	v12 =	vor.u32 v1, v12;
	v14 =	vor.u32 v1, v7;
	v7 =	vshll.u32 v8, $0x3;
	v32 =	vld.idx.msk [tilespmem:v8+s3+$0x0], $0xffff  }
0x21: {  	v17 =	vshll.u32 v27, $0x3;
	v18 =	vld.idx.msk [tilespmem:v18+s3+$0x0], $0xffff;
	v11 =	vshll.u32 v13, $0x3;
	v7 =	vor.u32 v1, v7  }
0x22: {  	s4 =	simm.s32 $0x450;
	v8 =	vor.u32 v1, v9;
	v35 =	vld.idx.msk [tilespmem:v13+s3+$0x0], $0xffff;
	v13 =	vor.u32 v1, v11;
	v9 =	vor.u32 v1, v17  }
0x23: {  	v17 =	vld.idx.msk [tilespmem:v25+s3+$0x0], $0xffff;
	v11 =	vor.u32 v1, v15;
	[tilespmem:v20+s4+$0x0] =	vst.idx.msk $0xffff, v24;
	v20 =	vshll.u32 v28, $0x3  }
0x24: {  	v15 =	vld.idx.msk [tilespmem:v27+s3+$0x0], $0xffff;
	[tilespmem:v21+s4+$0x0] =	vst.idx.msk $0xffff, v23;
	v23 =	vshll.u32 v30, $0x3;
	v21 =	vor.u32 v1, v20  }
0x25: {  	[tilespmem:v26+s4+$0x0] =	vst.idx.msk $0xffff, v10;
	v20 =	vld.idx.msk [tilespmem:v16+s2+$0x0], $0xffff;
	v24 =	vor.u32 v1, v23;
	v16 =	vshll.u32 v32, $0x3  }
0x26: {  	v33 =	vshll.u32 v25, $0x3;
	[tilespmem:v19+s4+$0x0] =	vst.idx.msk $0xffff, v22;
	v19 =	vld.idx.msk [tilespmem:v29+s2+$0x0], $0xffff;
	v23 =	vshll.u32 v34, $0x3;
	v22 =	vor.u32 v1, v16  }
0x27: {  	s5 =	sadd.s32 $0x600, s5;
	s7 =	simm.s32 $0xB8;
	s6 =	simm.s32 $0x8;
	v10 =	vor.u32 v1, v33;
	v23 =	vor.u32 v1, v23;
	v25 =	vshll.u32 v35, $0x3;
	v16 =	vld.idx.msk [tilespmem:v31+s2+$0x0], $0xffff  }
.LBB2_1:
0x28: {  	s8 =	sadd.s32 $0xFFFFFFD0, s7;
	s9 =	sadd.s32 $0xFFFFFFF8, s7;
	v26 =	vor.u32 s7, v0;
	s6 =	sadd.s32 $0x8, s6;
	v25 =	vor.u32 v1, v25;
	v18 =	vshll.u32 v18, $0x3;
	v27 =	vld.idx.msk [tilespmem:v14+s2+$0x0], $0xffff  }
0x29: {  	s10 =	sadd.s32 $0xFFFFFFE0, s7;
	v14 =	vshll.u32 v17, $0x3;
	v28 =	vor.u32 s8, v0;
	s8 =	sadd.s32 $0xFFFFFFD8, s7;
	v29 =	vor.u32 s9, v0;
	p0 =	slt.u32 s6, $0x78;
	v30 =	vld.idx.msk [tilespmem:v21+s2+$0x0], $0xffff  }
0x2a: {  	v31 =	vshll.u32 v5, $0x3;
	s9 =	sadd.s32 $0xFFFFFFC8, s7;
	v21 =	vor.u32 s10, v0;
	s10 =	sadd.s32 $0xFFFFFFF0, s7;
	v17 =	vor.u32 s8, v0;
	s8 =	sadd.s32 $0xFFFFFFE8, s7;
	v24 =	vld.idx.msk [tilespmem:v24+s2+$0x0], $0xffff;
	v5 =	vmovc v29  }
0x2b: {  	v31 =	vor.u32 v1, v31;
	v32 =	vor.u32 s9, v0;
	v33 =	vor.u32 s8, v0;
	v22 =	vld.idx.msk [tilespmem:v22+s2+$0x0], $0xffff;
	[tilespmem:v4+s4+$0x0] =	vst.idx.msk $0xffff, v20  }
0x2c: {  	v34 =	vor.u32 v1, v18;
	v18 =	vshll.u32 v15, $0x3;
	v20 =	vor.u32 s10, v0;
	v23 =	vld.idx.msk [tilespmem:v23+s2+$0x0], $0xffff;
	[tilespmem:v3+s4+$0x0] =	vst.idx.msk $0xffff, v19  }
0x2d: {  	v35 =	vor.u32 v1, v14;
	v14 =	vor.u32 v1, v18;
	v15 =	vshll.u32 v32, $0x3;
	v4 =	vmovc v13;
	v19 =	vld.idx.msk [tilespmem:v26+s3+$0x0], $0xffff  }
0x2e: {  	v36 =	vshll.u32 v21, $0x3;
	v13 =	vshll.u32 v28, $0x3;
	v18 =	vshll.u32 v17, $0x3;
	v3 =	vmovc v12;
	v29 =	vld.idx.msk [tilespmem:v29+s3+$0x0], $0xffff;
	[tilespmem:v2+s4+$0x0] =	vst.idx.msk $0xffff, v16  }
0x2f: {  	v37 =	vshll.u32 v20, $0x3;
	v26 =	vshll.u32 v26, $0x3;
	v2 =	vmovc v10;
	v16 =	vld.idx.msk [tilespmem:v28+s3+$0x0], $0xffff;
	v28 =	vshll.u32 v33, $0x3;
	[tilespmem:v6+s4+$0x0] =	vst.idx.msk $0xffff, v27  }
0x30: {  	v6 =	vor.u32 v1, v15;
	v15 =	vor.u32 v1, v13;
	v27 =	vld.idx.msk [tilespmem:v32+s3+$0x0], $0xffff;
	[tilespmem:v31+s4+$0x0] =	vst.idx.msk $0xffff, v24  }
0x31: {  	v12 =	vor.u32 v1, v36;
	v13 =	vor.u32 v1, v18;
	v10 =	vor.u32 v1, v28;
	v31 =	vld.idx.msk [tilespmem:v17+s3+$0x0], $0xffff  }
0x32: {  	v26 =	vor.u32 v1, v26;
	v24 =	vor.u32 v1, v37;
	v18 =	vld.idx.msk [tilespmem:v21+s3+$0x0], $0xffff;
	[tilespmem:v8+s4+$0x0] =	vst.idx.msk $0xffff, v23  }
.Ltmp0:
0x33: {  	v19 =	vshll.u32 v19, $0x3;
	v8 =	vmovc v6;
	v6 =	vmov v9;
	v17 =	vld.idx.msk [tilespmem:v33+s3+$0x0], $0xffff;
	[tilespmem:v7+s4+$0x0] =	vst.idx.msk $0xffff, v22;
	v7 =	vmov v15;
	(pc) =	sbr.rel @p0 .LBB2_1-.Ltmp0, $4  }
0x34: {  	v9 =	vmov v24;
	v21 =	vor.u32 v1, v19;
	v15 =	vld.idx.msk [tilespmem:v20+s3+$0x0], $0xffff;
	v20 =	vshll.u32 v29, $0x3;
	[tilespmem:v11+s4+$0x0] =	vst.idx.msk $0xffff, v30  }
0x35: {  	v16 =	vshll.u32 v16, $0x3;
	v11 =	vmov v26;
	v24 =	vor.u32 v1, v20;
	v20 =	vld.idx.msk [tilespmem:v25+s2+$0x0], $0xffff  }
0x36: {  	v23 =	vshll.u32 v27, $0x3;
	v22 =	vor.u32 v1, v16;
	v19 =	vld.idx.msk [tilespmem:v34+s2+$0x0], $0xffff  }
0x37: {  	s7 =	sadd.s32 $0x40, s7;
	v23 =	vor.u32 v1, v23;
	v25 =	vshll.u32 v31, $0x3;
	v16 =	vld.idx.msk [tilespmem:v35+s2+$0x0], $0xffff  }
0x38: {  	_ =	sdelay $0x3  }
0x39: {  	v0 =	vor.u32 v1, v25;
	v18 =	vshll.u32 v18, $0x3;
	v14 =	vld.idx.msk [tilespmem:v14+s2+$0x0], $0xffff  }
0x3a: {  	v17 =	vshll.u32 v17, $0x3;
	v58 =	vld.idx.msk [tilespmem:v23+s2+$0x0], $0xffff;
	v18 =	vor.u32 v1, v18  }
0x3b: {  	v59 =	vld.idx.msk [tilespmem:v22+s2+$0x0], $0xffff;
	v15 =	vshll.u32 v15, $0x3;
	v17 =	vor.u32 v1, v17;
	[tilespmem:v4+s4+$0x0] =	vst.idx.msk $0xffff, v20  }
0x3c: {  	v5 =	vshll.u32 v5, $0x3;
	v61 =	vld.idx.msk [tilespmem:v21+s2+$0x0], $0xffff;
	v60 =	vor.u32 v1, v15;
	[tilespmem:v3+s4+$0x0] =	vst.idx.msk $0xffff, v19  }
0x3d: {  	v24 =	vld.idx.msk [tilespmem:v24+s2+$0x0], $0xffff;
	v5 =	vor.u32 v1, v5;
	[tilespmem:v2+s4+$0x0] =	vst.idx.msk $0xffff, v16  }
0x3e: {  	[tilespmem:v6+s4+$0x0] =	vst.idx.msk $0xffff, v14;
	v0 =	vld.idx.msk [tilespmem:v0+s2+$0x0], $0xffff  }
0x3f: {  	[tilespmem:v8+s4+$0x0] =	vst.idx.msk $0xffff, v58;
	v62 =	vld.idx.msk [tilespmem:v18+s2+$0x0], $0xffff  }
0x40: {  	[tilespmem:v7+s4+$0x0] =	vst.idx.msk $0xffff, v59;
	v63 =	vld.idx.msk [tilespmem:v17+s2+$0x0], $0xffff  }
0x41: {  	[tilespmem:v11+s4+$0x0] =	vst.idx.msk $0xffff, v61;
	v1 =	vld.idx.msk [tilespmem:v60+s2+$0x0], $0xffff  }
0x42: {  	[tilespmem:v5+s4+$0x0] =	vst.idx.msk $0xffff, v24  }
0x43: {  	[tilespmem:v13+s4+$0x0] =	vst.idx.msk $0xffff, v0  }
0x44: {  	[tilespmem:v12+s4+$0x0] =	vst.idx.msk $0xffff, v62  }
0x45: {  	s29 =	sshll.u32 s1, $0xA;
	s3 =	simm.s32 $0x0;
	[tilespmem:v10+s4+$0x0] =	vst.idx.msk $0xffff, v63  }
0x46: {  	s30 =	simm.s32 $0x450;
	s31 =	simm.s32 $0x3;
	s2 =	sadd.s32 s5, s29;
	[tilespmem:v9+s4+$0x0] =	vst.idx.msk $0xffff, v1  }
0x47: {  	[hbm4b:s2+s3] =	stream.linear.scatter [tilespmem:s30], [sflag:$0x3], $0x2000, $0x38;
	[tilespmem:$0x2450] =	vst v63  }
0x48: {  	_ =	swait.ge [sflag:s31], $0x2000  }
0x49: {  	[sflag:s31] =	ssyncset.done $0x0  }
0x4a: {  	[sflag:s31] =	ssyncadd.s32 $0xFFFFE000  }
0x4b: {  	_ =	sfence.sel $0x180000  }
0x4c: {  	[bflag:$0x0] =	sbarrier.arrive $0xFFFF  }
0x4d: {  	p0 =	sne.s32 s1, $0x0;
	_ =	strace $0x90000047  }
0x4e: {  	s0 =	sadd.s32 @!p0 $0x100000, s0;
	[bflag:$0x2] =	sbarrier.arrive $0xFFFF  }
0x4f: {  	[sflag:s0] =	ssyncadd.tile.s32 @!p0 $0x1;
	_ =	shalt  }
.Lfunc_end2:
_tile_overlayer_lowered:
.L_overlay_start_2:
0x50: {  	(tag) =	ssettag $0x2  }
0x51: {  	s0 =	rddreg [dreg:$0x0];
	s2 =	stileid.u32  }
0x52: {  	s1 =	rddreg [dreg:$0x1];
	p0 =	sne.s32 s2, $0x0  }
0x53: {  	s3 =	rddreg [dreg:$0x2];
	[bflag:$0x3] =	sbarrier.arrive $0xFFFF;
	s2 =	simm.s32 @!p0 $0x1C03  }
0x54: {  	[timem:s3], [sflag:s2] =	dma.local @!p0 [hbm:s0], s1  }
0x55: {  	s0 =	simm.s32 @!p0 $0x3  }
0x56: {  	_ =	swait.ge @!p0 [sflag:s0], s1  }
0x57: {  	s1 =	ssub.s32 @!p0 $0x0, s1;
	[sflag:s0] =	ssyncset.done @!p0 $0x0  }
0x58: {  	[sflag:s0] =	ssyncadd.s32 @!p0 s1  }
0x59: {  	[bflag:$0x3] =	sbarrier.arrive $0xFFFF  }
0x5a: {  	_ =	shalt  }

</sc_bundles>
